<compile_context>
chip_gen: v7x
topology: tpu7x:2x2x1
jax: 0.10.2.dev20260603
libtpu: 0.0.44.dev20260713+nightly
codegen_flags: <defaults>
</compile_context>

<pallas_src>
import functools

import jax
import jax.numpy as jnp
from jax import lax
from jax.experimental import pallas as pl
from jax.experimental.pallas import tpu as pltpu
from jax.experimental.pallas import tpu_sc as plsc


def _build_wext_kernel(wr_ref, out_ref):
    f32 = jnp.float32
    w = wr_ref[:]
    ri = jax.lax.broadcasted_iota(jnp.int32, (128, 128), 0)
    ci = jax.lax.broadcasted_iota(jnp.int32, (128, 128), 1)

    def dot(a, b):
        return jax.lax.dot(a, b, preferred_element_type=f32,
                           precision=jax.lax.Precision.HIGHEST)

    perm = (ri == (8 * (15 - ci // 8) + ci % 8)).astype(f32)
    flip = ((ri + ci) == 127).astype(f32)
    rev = dot(flip, dot(w, perm))
    roll8 = (ri == ((ci + 8) % 128)).astype(f32)
    gfw = dot(w, roll8)
    pick = ((ri == 127) & (ci == 0)).astype(f32)
    b0 = dot(pick, gfw)
    low = jnp.where((ri < 127) | (ci < 120), rev, b0)
    gup = jnp.concatenate([gfw[1:], jnp.zeros((1, 128), f32)], axis=0)
    high = jnp.where(ci < 120, gfw, gup)
    out_ref[:] = jnp.concatenate([low, high], axis=0)


def _sc_expand_kernel(wext_hbm, out_hbm, wext_v, sem):
    cid = lax.axis_index("c")
    sid = lax.axis_index("s")
    wid = sid * 2 + cid
    pltpu.sync_copy(wext_hbm, wext_v)

    def body(k, carry):
        u = wid * 64 + k
        off = (2047 - u) * 8
        pltpu.async_copy(
            wext_v.at[pl.ds(off, 16384)],
            out_hbm.at[pl.ds(u * 16384, 16384)], sem).wait()
        return carry

    lax.fori_loop(0, 64, body, 0)


def kernel(x, W):
    bs, _, seq_len = x.shape
    num, out = W.shape
    assert seq_len == 2048 and num == 2048 and out == 8
    wr = W.reshape(128, 128)
    wext = pl.pallas_call(
        _build_wext_kernel,
        out_shape=jax.ShapeDtypeStruct((256, 128), jnp.float32),
    )(wr).reshape(32768)

    mesh = plsc.VectorSubcoreMesh(core_axis_name="c", subcore_axis_name="s")
    expand = functools.partial(
        pl.kernel,
        mesh=mesh,
        out_type=jax.ShapeDtypeStruct((33554432,), jnp.float32),
        scratch_types=[
            pltpu.VMEM((32768,), jnp.float32),
            pltpu.SemaphoreType.DMA,
        ],
    )(_sc_expand_kernel)
    res = expand(wext)
    emb = res.reshape(1, out, seq_len, seq_len)
    if bs > 1:
        emb = jnp.tile(emb, (bs, 1, 1, 1))
    return emb

# --- scband reference (transcript-rebuilt; emitter-appended) ---
"""Pipeline reference for scband-pos-embedding-50740743635731 (READ-ONLY COPY).

The authoritative reference and input builder live on the scoring server;
editing this copy changes nothing except your own understanding.
"""

import jax, jax.numpy as jnp
import numpy as np

NUM = 2048
OUT = 8

def setup_inputs(seed: int = 0) -> dict:
    key = jax.random.key(seed)
    kx, kw = jax.random.split(key)
    x = jax.random.normal(kx, (1, 16, 2048), dtype=jnp.float32)
    W = jax.random.normal(kw, (NUM, OUT), dtype=jnp.float32) * 0.02
    return {"x": x, "W": W}

def reference(x, W):
    bs, n, seq_len = x.shape
    pos = jnp.arange(seq_len)[:, None]
    matrix_repr1 = jnp.tile(pos, (1, seq_len))
    matrix_repr2 = matrix_repr1.T
    dist = jnp.abs(matrix_repr1 - matrix_repr2)
    # embedding gather: [1, S*S] -> [1, S*S, OUT]
    emb = jnp.take(W, dist.reshape(1, -1), axis=0)
    # faithful to torch .view(1, -1, S, S): pure row-major reshape
    emb = emb.reshape(1, -1, seq_len, seq_len)
    emb = jnp.tile(emb, (bs, 1, 1, 1))
    return emb

if __name__ == "__main__":
    import jax
    _d = setup_inputs()
    print(jax.jit(kernel)(*tuple(_d.values())))

</pallas_src>

<mosaic_0001>
#map = affine_map<(d0, d1) -> (0)>
module attributes {stable_mosaic.version = 14 : i64} {
  func.func @_sc_expand_kernel(%arg0: i32, %arg1: i32, %arg2: memref<32768xf32, #tpu.memory_space<hbm>>, %arg3: memref<33554432xf32, #tpu.memory_space<hbm>>, %arg4: memref<32768xf32, #tpu.memory_space<vmem>>, %arg5: memref<!tpu.dma_semaphore, #tpu.memory_space<semaphore_mem>>) attributes {dimension_semantics = [#tpu.dimension_semantics<core_parallel>, #tpu.dimension_semantics<subcore_parallel>], iteration_bounds = array<i64: 2, 16>, scalar_prefetch = 0 : i64, scratch_operands = 2 : i64, tpu.core_type = #tpu.core_type<sc_vector_subcore>, window_params = [{transform_indices = #map}, {transform_indices = #map}]} {
    %mul3A = arith.constant 2 : i32
    %mul3A_0 = arith.muli %arg1, %mul3A : i32
    %add3A = arith.addi %mul3A_0, %arg0 : i32
    "tpu.region"() ({
      %run_scoped3A = tpu.sem_alloc : memref<!tpu.dma_semaphore, #tpu.memory_space<semaphore_mem>>
      tpu.enqueue_dma source(%arg2 : memref<32768xf32, #tpu.memory_space<hbm>>) target(%arg4 : memref<32768xf32, #tpu.memory_space<vmem>>) target_semaphore(%run_scoped3A : memref<!tpu.dma_semaphore, #tpu.memory_space<semaphore_mem>>)
      tpu.wait_dma2 semaphore(%run_scoped3A : memref<!tpu.dma_semaphore, #tpu.memory_space<semaphore_mem>>) src(%arg2 : memref<32768xf32, #tpu.memory_space<hbm>>) dst(%arg4 : memref<32768xf32, #tpu.memory_space<vmem>>)
      tpu.yield
    }) : () -> ()
    %scan3A = arith.constant 0 : i32
    %scan3A_1 = arith.constant 0 : i32
    %scan3A_2 = arith.constant 64 : i32
    %scan3A_3 = arith.addi %scan3A_1, %scan3A_2 : i32
    %scan3A_4 = arith.constant 1 : i32
    scf.for %scan3A_6 = %scan3A_1 to %scan3A_3 step %scan3A_4  : i32 {
      %mul3A_7 = arith.constant 64 : i32
      %mul3A_8 = arith.muli %add3A, %mul3A_7 : i32
      %add3A_9 = arith.addi %mul3A_8, %scan3A_6 : i32
      %sub3A = arith.constant 2047 : i32
      %sub3A_10 = arith.subi %sub3A, %add3A_9 : i32
      %mul3A_11 = arith.constant 8 : i32
      %mul3A_12 = arith.muli %sub3A_10, %mul3A_11 : i32
      %mul3A_13 = arith.constant 16384 : i32
      %mul3A_14 = arith.muli %add3A_9, %mul3A_13 : i32
      %dma_start3A = tpu.memref_slice %arg4[%mul3A_12] : memref<32768xf32, #tpu.memory_space<vmem>> -> memref<16384xf32, #tpu.memory_space<vmem>>
      %dma_start3A_15 = tpu.memref_slice %arg3[%mul3A_14] : memref<33554432xf32, #tpu.memory_space<hbm>> -> memref<16384xf32, #tpu.memory_space<hbm>>
      %dma_start3A_16 = tpu.memref_slice %arg3[%mul3A_14] : memref<33554432xf32, #tpu.memory_space<hbm>> -> memref<16384xf32, #tpu.memory_space<hbm>>
      %dma_start3A_17 = tpu.memref_slice %arg4[%mul3A_12] : memref<32768xf32, #tpu.memory_space<vmem>> -> memref<16384xf32, #tpu.memory_space<vmem>>
      tpu.enqueue_dma source(%dma_start3A_17 : memref<16384xf32, #tpu.memory_space<vmem>>) target(%dma_start3A_16 : memref<16384xf32, #tpu.memory_space<hbm>>) target_semaphore(%arg5 : memref<!tpu.dma_semaphore, #tpu.memory_space<semaphore_mem>>)
      %dma_wait3A = tpu.memref_slice %arg4[%mul3A_12] : memref<32768xf32, #tpu.memory_space<vmem>> -> memref<16384xf32, #tpu.memory_space<vmem>>
      %dma_wait3A_18 = tpu.memref_slice %arg3[%mul3A_14] : memref<33554432xf32, #tpu.memory_space<hbm>> -> memref<16384xf32, #tpu.memory_space<hbm>>
      %dma_wait3A_19 = tpu.memref_slice %arg3[%mul3A_14] : memref<33554432xf32, #tpu.memory_space<hbm>> -> memref<16384xf32, #tpu.memory_space<hbm>>
      %dma_wait3A_20 = tpu.memref_slice %arg4[%mul3A_12] : memref<32768xf32, #tpu.memory_space<vmem>> -> memref<16384xf32, #tpu.memory_space<vmem>>
      tpu.wait_dma2 semaphore(%arg5 : memref<!tpu.dma_semaphore, #tpu.memory_space<semaphore_mem>>) src(%dma_wait3A_20 : memref<16384xf32, #tpu.memory_space<vmem>>) dst(%dma_wait3A_19 : memref<16384xf32, #tpu.memory_space<hbm>>)
    }
    %scan3A_5 = arith.constant 64 : i32
    return
  }
}

module attributes {stable_mosaic.version = 14 : i64} {
  func.func @_build_wext_kernel(%arg0: memref<128x128xf32, #tpu.memory_space<vmem>>, %arg1: memref<256x128xf32, #tpu.memory_space<vmem>>) attributes {dimension_semantics = [], scalar_prefetch = 0 : i64, scratch_operands = 0 : i64, tpu.core_type = #tpu.core_type<tc>} {
    %get3A = arith.constant 0 : index
    %get3A_0 = arith.constant 0 : index
    %get3A_1 = vector.load %arg0[%get3A, %get3A_0] : memref<128x128xf32, #tpu.memory_space<vmem>>, vector<128x128xf32>
    %iota3A = tpu.iota {dimensions = array<i32: 0>} : vector<128x128xi32>
    %iota3A_2 = tpu.iota {dimensions = array<i32: 1>} : vector<128x128xi32>
    %jit3A = arith.constant 8 : i32
    %div3A = vector.broadcast %jit3A : i32 to vector<128x128xi32>
    %div3A_3 = arith.divsi %iota3A_2, %div3A : vector<128x128xi32>
    %sign3A = arith.constant 0 : i32
    %sign3A_4 = vector.broadcast %sign3A : i32 to vector<128x128xi32>
    %sign3A_5 = arith.cmpi sgt, %iota3A_2, %sign3A_4 : vector<128x128xi32>
    %sign3A_6 = arith.extui %sign3A_5 : vector<128x128xi1> to vector<128x128xi32>
    %sign3A_7 = arith.constant 0 : i32
    %sign3A_8 = vector.broadcast %sign3A_7 : i32 to vector<128x128xi32>
    %sign3A_9 = arith.cmpi slt, %iota3A_2, %sign3A_8 : vector<128x128xi32>
    %sign3A_10 = arith.extui %sign3A_9 : vector<128x128xi1> to vector<128x128xi32>
    %sign3A_11 = arith.subi %sign3A_6, %sign3A_10 : vector<128x128xi32>
    %sign3A_12 = arith.constant 0 : i32
    %sign3A_13 = arith.cmpi sgt, %jit3A, %sign3A_12 : i32
    %sign3A_14 = arith.extui %sign3A_13 : i1 to i32
    %sign3A_15 = arith.constant 0 : i32
    %sign3A_16 = arith.cmpi slt, %jit3A, %sign3A_15 : i32
    %sign3A_17 = arith.extui %sign3A_16 : i1 to i32
    %sign3A_18 = arith.subi %sign3A_14, %sign3A_17 : i32
    %ne3A = vector.broadcast %sign3A_18 : i32 to vector<128x128xi32>
    %ne3A_19 = arith.cmpi ne, %sign3A_11, %ne3A : vector<128x128xi32>
    %rem3A = vector.broadcast %jit3A : i32 to vector<128x128xi32>
    %rem3A_20 = arith.remsi %iota3A_2, %rem3A : vector<128x128xi32>
    %ne3A_21 = arith.constant 0 : i32
    %ne3A_22 = vector.broadcast %ne3A_21 : i32 to vector<128x128xi32>
    %ne3A_23 = arith.cmpi ne, %rem3A_20, %ne3A_22 : vector<128x128xi32>
    %and3A = arith.andi %ne3A_19, %ne3A_23 : vector<128x128xi1>
    %sub3A = arith.constant 1 : i32
    %sub3A_24 = vector.broadcast %sub3A : i32 to vector<128x128xi32>
    %sub3A_25 = arith.subi %div3A_3, %sub3A_24 : vector<128x128xi32>
    %select_n3A = arith.select %and3A, %sub3A_25, %div3A_3 : vector<128x128xi1>, vector<128x128xi32>
    %sub3A_26 = arith.constant 15 : i32
    %sub3A_27 = vector.broadcast %sub3A_26 : i32 to vector<128x128xi32>
    %sub3A_28 = arith.subi %sub3A_27, %select_n3A : vector<128x128xi32>
    %mul3A = arith.constant 8 : i32
    %mul3A_29 = vector.broadcast %mul3A : i32 to vector<128x128xi32>
    %mul3A_30 = arith.muli %mul3A_29, %sub3A_28 : vector<128x128xi32>
    %jit3A_31 = arith.constant 8 : i32
    %eq3A = arith.constant 0 : i32
    %eq3A_32 = arith.cmpi eq, %jit3A_31, %eq3A : i32
    %jit3A_33 = arith.constant 1 : i32
    %select_n3A_34 = arith.select %eq3A_32, %jit3A_33, %jit3A_31 : i32
    %rem3A_35 = vector.broadcast %select_n3A_34 : i32 to vector<128x128xi32>
    %rem3A_36 = arith.remsi %iota3A_2, %rem3A_35 : vector<128x128xi32>
    %ne3A_37 = arith.constant 0 : i32
    %ne3A_38 = vector.broadcast %ne3A_37 : i32 to vector<128x128xi32>
    %ne3A_39 = arith.cmpi ne, %rem3A_36, %ne3A_38 : vector<128x128xi32>
    %lt3A = arith.constant 0 : i32
    %lt3A_40 = vector.broadcast %lt3A : i32 to vector<128x128xi32>
    %lt3A_41 = arith.cmpi slt, %rem3A_36, %lt3A_40 : vector<128x128xi32>
    %lt3A_42 = arith.constant 0 : i32
    %lt3A_43 = arith.cmpi slt, %select_n3A_34, %lt3A_42 : i32
    %ne3A_44 = vector.broadcast %lt3A_43 : i1 to vector<128x128xi1>
    %ne3A_45 = vector.broadcast %ne3A_44 : vector<128x128xi1> to vector<128x128xi1>
    %ne3A_46 = arith.xori %lt3A_41, %ne3A_45 : vector<128x128xi1>
    %and3A_47 = arith.andi %ne3A_46, %ne3A_39 : vector<128x128xi1>
    %add3A = vector.broadcast %select_n3A_34 : i32 to vector<128x128xi32>
    %add3A_48 = arith.addi %rem3A_36, %add3A : vector<128x128xi32>
    %select_n3A_49 = arith.select %and3A_47, %add3A_48, %rem3A_36 : vector<128x128xi1>, vector<128x128xi32>
    %add3A_50 = arith.addi %mul3A_30, %select_n3A_49 : vector<128x128xi32>
    %eq3A_51 = arith.cmpi eq, %iota3A, %add3A_50 : vector<128x128xi32>
    %convert_element_type3A = arith.extui %eq3A_51 : vector<128x128xi1> to vector<128x128xi32>
    %convert_element_type3A_52 = arith.sitofp %convert_element_type3A : vector<128x128xi32> to vector<128x128xf32>
    %add3A_53 = arith.addi %iota3A, %iota3A_2 : vector<128x128xi32>
    %eq3A_54 = arith.constant 127 : i32
    %eq3A_55 = vector.broadcast %eq3A_54 : i32 to vector<128x128xi32>
    %eq3A_56 = arith.cmpi eq, %add3A_53, %eq3A_55 : vector<128x128xi32>
    %convert_element_type3A_57 = arith.extui %eq3A_56 : vector<128x128xi1> to vector<128x128xi32>
    %convert_element_type3A_58 = arith.sitofp %convert_element_type3A_57 : vector<128x128xi32> to vector<128x128xf32>
    %dot_general3A = arith.constant dense<0.000000e+00> : vector<128x128xf32>
    %dot_general3A_59 = tpu.matmul %get3A_1, %convert_element_type3A_52, %dot_general3A {dimension_numbers = #tpu.dot_dimension_numbers<[1], [0], [0], [1], [0, 0, 1, 1], [], []>, precision = #tpu.contract_precision<fp32>, transpose_lhs_hint = false} : vector<128x128xf32>, vector<128x128xf32>, vector<128x128xf32> -> vector<128x128xf32>
    %dot_general3A_60 = arith.constant dense<0.000000e+00> : vector<128x128xf32>
    %dot_general3A_61 = tpu.matmul %convert_element_type3A_58, %dot_general3A_59, %dot_general3A_60 {dimension_numbers = #tpu.dot_dimension_numbers<[1], [0], [0], [1], [0, 0, 1, 1], [], []>, precision = #tpu.contract_precision<fp32>, transpose_lhs_hint = false} : vector<128x128xf32>, vector<128x128xf32>, vector<128x128xf32> -> vector<128x128xf32>
    %add3A_62 = arith.constant 8 : i32
    %add3A_63 = vector.broadcast %add3A_62 : i32 to vector<128x128xi32>
    %add3A_64 = arith.addi %iota3A_2, %add3A_63 : vector<128x128xi32>
    %jit3A_65 = arith.constant 128 : i32
    %eq3A_66 = arith.constant 0 : i32
    %eq3A_67 = arith.cmpi eq, %jit3A_65, %eq3A_66 : i32
    %jit3A_68 = arith.constant 1 : i32
    %select_n3A_69 = arith.select %eq3A_67, %jit3A_68, %jit3A_65 : i32
    %rem3A_70 = vector.broadcast %select_n3A_69 : i32 to vector<128x128xi32>
    %rem3A_71 = arith.remsi %add3A_64, %rem3A_70 : vector<128x128xi32>
    %ne3A_72 = arith.constant 0 : i32
    %ne3A_73 = vector.broadcast %ne3A_72 : i32 to vector<128x128xi32>
    %ne3A_74 = arith.cmpi ne, %rem3A_71, %ne3A_73 : vector<128x128xi32>
    %lt3A_75 = arith.constant 0 : i32
    %lt3A_76 = vector.broadcast %lt3A_75 : i32 to vector<128x128xi32>
    %lt3A_77 = arith.cmpi slt, %rem3A_71, %lt3A_76 : vector<128x128xi32>
    %lt3A_78 = arith.constant 0 : i32
    %lt3A_79 = arith.cmpi slt, %select_n3A_69, %lt3A_78 : i32
    %ne3A_80 = vector.broadcast %lt3A_79 : i1 to vector<128x128xi1>
    %ne3A_81 = vector.broadcast %ne3A_80 : vector<128x128xi1> to vector<128x128xi1>
    %ne3A_82 = arith.xori %lt3A_77, %ne3A_81 : vector<128x128xi1>
    %and3A_83 = arith.andi %ne3A_82, %ne3A_74 : vector<128x128xi1>
    %add3A_84 = vector.broadcast %select_n3A_69 : i32 to vector<128x128xi32>
    %add3A_85 = arith.addi %rem3A_71, %add3A_84 : vector<128x128xi32>
    %select_n3A_86 = arith.select %and3A_83, %add3A_85, %rem3A_71 : vector<128x128xi1>, vector<128x128xi32>
    %eq3A_87 = arith.cmpi eq, %iota3A, %select_n3A_86 : vector<128x128xi32>
    %convert_element_type3A_88 = arith.extui %eq3A_87 : vector<128x128xi1> to vector<128x128xi32>
    %convert_element_type3A_89 = arith.sitofp %convert_element_type3A_88 : vector<128x128xi32> to vector<128x128xf32>
    %dot_general3A_90 = arith.constant dense<0.000000e+00> : vector<128x128xf32>
    %dot_general3A_91 = tpu.matmul %get3A_1, %convert_element_type3A_89, %dot_general3A_90 {dimension_numbers = #tpu.dot_dimension_numbers<[1], [0], [0], [1], [0, 0, 1, 1], [], []>, precision = #tpu.contract_precision<fp32>, transpose_lhs_hint = false} : vector<128x128xf32>, vector<128x128xf32>, vector<128x128xf32> -> vector<128x128xf32>
    %eq3A_92 = arith.constant 127 : i32
    %eq3A_93 = vector.broadcast %eq3A_92 : i32 to vector<128x128xi32>
    %eq3A_94 = arith.cmpi eq, %iota3A, %eq3A_93 : vector<128x128xi32>
    %eq3A_95 = arith.constant 0 : i32
    %eq3A_96 = vector.broadcast %eq3A_95 : i32 to vector<128x128xi32>
    %eq3A_97 = arith.cmpi eq, %iota3A_2, %eq3A_96 : vector<128x128xi32>
    %and3A_98 = arith.andi %eq3A_94, %eq3A_97 : vector<128x128xi1>
    %convert_element_type3A_99 = arith.extui %and3A_98 : vector<128x128xi1> to vector<128x128xi32>
    %convert_element_type3A_100 = arith.sitofp %convert_element_type3A_99 : vector<128x128xi32> to vector<128x128xf32>
    %dot_general3A_101 = arith.constant dense<0.000000e+00> : vector<128x128xf32>
    %dot_general3A_102 = tpu.matmul %convert_element_type3A_100, %dot_general3A_91, %dot_general3A_101 {dimension_numbers = #tpu.dot_dimension_numbers<[1], [0], [0], [1], [0, 0, 1, 1], [], []>, precision = #tpu.contract_precision<fp32>, transpose_lhs_hint = false} : vector<128x128xf32>, vector<128x128xf32>, vector<128x128xf32> -> vector<128x128xf32>
    %lt3A_103 = arith.constant 127 : i32
    %lt3A_104 = vector.broadcast %lt3A_103 : i32 to vector<128x128xi32>
    %lt3A_105 = arith.cmpi slt, %iota3A, %lt3A_104 : vector<128x128xi32>
    %lt3A_106 = arith.constant 120 : i32
    %lt3A_107 = vector.broadcast %lt3A_106 : i32 to vector<128x128xi32>
    %lt3A_108 = arith.cmpi slt, %iota3A_2, %lt3A_107 : vector<128x128xi32>
    %or3A = arith.ori %lt3A_105, %lt3A_108 : vector<128x128xi1>
    %select_n3A_109 = arith.select %or3A, %dot_general3A_61, %dot_general3A_102 : vector<128x128xi1>, vector<128x128xf32>
    %slice3A = vector.extract_strided_slice %dot_general3A_91 {offsets = [1, 0], sizes = [127, 128], strides = [1, 1]} : vector<128x128xf32> to vector<127x128xf32>
    %broadcast_in_dim3A = arith.constant 0.000000e+00 : f32
    %broadcast_in_dim3A_110 = vector.broadcast %broadcast_in_dim3A : f32 to vector<1x128xf32>
    %concatenate3A = tpu.concatenate %slice3A, %broadcast_in_dim3A_110 in 0 : vector<127x128xf32>, vector<1x128xf32> -> vector<128x128xf32>
    %lt3A_111 = arith.constant 120 : i32
    %lt3A_112 = vector.broadcast %lt3A_111 : i32 to vector<128x128xi32>
    %lt3A_113 = arith.cmpi slt, %iota3A_2, %lt3A_112 : vector<128x128xi32>
    %select_n3A_114 = arith.select %lt3A_113, %dot_general3A_91, %concatenate3A : vector<128x128xi1>, vector<128x128xf32>
    %concatenate3A_115 = tpu.concatenate %select_n3A_109, %select_n3A_114 in 0 : vector<128x128xf32>, vector<128x128xf32> -> vector<256x128xf32>
    %swap3A = arith.constant 0 : index
    %swap3A_116 = arith.constant 0 : index
    %swap3A_117 = vector.load %arg1[%swap3A, %swap3A_116] : memref<256x128xf32, #tpu.memory_space<vmem>>, vector<256x128xf32>
    tpu.vector_store %arg1[%swap3A, %swap3A_116], %concatenate3A_115 {strides = array<i32>} : memref<256x128xf32, #tpu.memory_space<vmem>>, vector<256x128xf32>,
    return
  }
}

</mosaic_0001>

<sc_bundles>
// kernel: kernel.4.cloned.1.call-start
scs
__scs_entry_jumppad:
0x0: {  	(pc) =	sbr.rel $0x88, $3  }
0x1: {  	(tag) =	ssettag $0x0;
	lr =	simm.s32 $0x1  }
0x2: {  	[smem:$0x3FA0] =	sst lr;
	_ =	strace $0xD0000000  }
0x3: {  	_ = 	snop  }
0x4: {  	_ = 	snop  }
0x5: {  	_ = 	snop  }
0x6: {  	_ = 	snop  }
0x7: {  	_ = 	snop  }
__scs_overlays_trampoline_lowered:
0x8: {  	[smem:$0x3FAF] =	sst s0  }
0x9: {  	[smem:$0x3FB0] =	sst s1  }
0xa: {  	[smem:$0x3FB1] =	sst s2  }
0xb: {  	[smem:$0x3FB2] =	sst s3  }
0xc: {  	[smem:$0x3FB3] =	sst s4  }
0xd: {  	[smem:$0x3FB4] =	sst s5  }
0xe: {  	[smem:$0x3FB5] =	sst s6  }
0xf: {  	[smem:$0x3FB6] =	sst s7  }
0x10: {  	[smem:$0x3FB7] =	sst s8  }
0x11: {  	[smem:$0x3FB8] =	sst s9;
	s0 =	simm.s32 @!p0 $0x0  }
0x12: {  	s1 =	sld [smem:$0x3F9E];
	s0 =	simm.s32 @p0 $0x1  }
0x13: {  	[smem:$0x3FB9] =	sst s0;
	s0 =	simm.s32 @!p1 $0x0  }
0x14: {  	s2 =	sld [smem:$0x3F9D];
	s0 =	simm.s32 @p1 $0x1  }
0x15: {  	[smem:$0x3FBA] =	sst s0;
	s0 =	simm.s32 @!p2 $0x0  }
0x16: {  	s3 =	sld [smem:$0x3FDB];
	s0 =	simm.s32 @p2 $0x1  }
0x17: {  	s4 =	simm.s32 $0x1BF5;
	[smem:$0x3FBC] =	sst s0  }
0x18: {  	s0 =	sld [smem:$0x3F9F];
	_ =	swait.ge [sflag:s4], $0x0  }
0x19: {  	s7 =	sld [smem:$0x3FA0]  }
0x1a: {  	s8 =	sadd.s32 $0xFFFFE003, lr  }
0x1b: {  	s9 =	sadd.s32 $0xFFFFFEF7, lr;
	s5 =	simm.s32 $0xFFFFFFFF;
	p2 =	slt.u32 s8, $0xFFFFF086  }
0x1c: {  	p1 =	slt.u32 s9, $0xF7A;
	s5 =	simm.s32 @!p2 $0x0  }
0x1d: {  	s5 =	simm.s32 @p1 $0x1;
	p0 =	seq.s32 s7, s2  }
0x1e: {  	s7 =	smul.u32 @!p0 $0xF7A, s2;
	p2 =	seq.s32 @!p0 s5, $0x0  }
0x1f: {  	s9 =	smul.u32 $0xF7A, s1;
	s8 =	simm.s32 @!p0 $0x1BF5;
	p2 =	por !p2, p0  }
0x20: {  	[sflag:s8] =	ssyncset.s32 @!p0 $0xFFFFF086;
	s6 =	sadd.s32 @!p0 s3, s7;
	s7 =	simm.s32 @!p0 $0x108  }
0x21: {  	s3 =	sadd.s32 s3, s9;
	s6 =	sadd.s32 @!p0 $0x88, s6;
	s7 =	simm.s32 @p2 $0x1082  }
0x22: {  	[simem:s7], [sflag:s8] =	dma.local @!p0 [hbm:s6], $0xF7A  }
0x23: {  	s9 =	sor.u32 $0xD0000000, s2;
	s6 =	simm.s32 $0x108;
	_ =	swait.ge @!p0 [sflag:s8], $0x0  }
0x24: {  	s3 =	sadd.s32 $0x88, s3;
	s6 =	simm.s32 @!p1 $0x1082;
	[sflag:s4] =	ssyncset.s32 $0xFFFFF086  }
0x25: {  	[simem:s6], [sflag:s4] =	dma.local [hbm:s3], $0xF7A  }
0x26: {  	[smem:$0x3FA0] =	sst s1;
	(tag) =	ssettag s2;
	_ =	strace s9  }
0x27: {  	s1 =	sld [smem:$0x3FB0]  }
0x28: {  	s2 =	sld [smem:$0x3FB1]  }
0x29: {  	s4 =	sld [smem:$0x3FB3]  }
0x2a: {  	p0 =	seq.s32 s5, $0x0;
	s5 =	sld [smem:$0x3FB4]  }
0x2b: {  	s6 =	sld [smem:$0x3FB5]  }
0x2c: {  	s7 =	sld [smem:$0x3FB6]  }
0x2d: {  	s3 =	simm.s32 $0x108;
	s8 =	sld [smem:$0x3FB7]  }
0x2e: {  	s3 =	simm.s32 @!p0 $0x1082;
	s9 =	sld [smem:$0x3FB8]  }
0x2f: {  	lr =	sadd.s32 s0, s3;
	s0 =	sld [smem:$0x3FAF]  }
0x30: {  	s3 =	sld [smem:$0x3FB2]  }
0x31: {  	[smem:$0x3FBB] =	sst s10  }
0x32: {  	s10 =	sld [smem:$0x3FB9];
	_ =	sdelay $0x3  }
0x33: {  	p0 =	seq.s32 s10, $0x1;
	s10 =	sld [smem:$0x3FBB];
	_ =	sdelay $0x3  }
0x34: {  	[smem:$0x3FBB] =	sst s10  }
0x35: {  	s10 =	sld [smem:$0x3FBA];
	_ =	sdelay $0x3  }
0x36: {  	p1 =	seq.s32 s10, $0x1;
	s10 =	sld [smem:$0x3FBB];
	_ =	sdelay $0x3  }
0x37: {  	[smem:$0x3FBB] =	sst s10  }
0x38: {  	s10 =	sld [smem:$0x3FBC]  }
0x39: {  	_ = 	snop;
	(pc) =	sbr.ind lr, $3  }
0x3a: {  	_ = 	snop  }
0x3b: {  	_ = 	snop  }
0x3c: {  	p2 =	seq.s32 s10, $0x1;
	s10 =	sld [smem:$0x3FBB]  }
0x3d: {  	_ =	shalt  }
0x3e: {  	_ =	shalt  }
0x3f: {  	_ =	shalt  }
0x40: {  	_ =	shalt  }
0x41: {  	_ =	shalt  }
0x42: {  	_ =	shalt  }
0x43: {  	_ =	shalt  }
0x44: {  	_ =	shalt  }
0x45: {  	_ =	shalt  }
0x46: {  	_ =	shalt  }
0x47: {  	_ =	shalt  }
0x48: {  	_ =	shalt  }
0x49: {  	_ =	shalt  }
0x4a: {  	_ =	shalt  }
0x4b: {  	_ =	shalt  }
0x4c: {  	_ =	shalt  }
0x4d: {  	_ =	shalt  }
0x4e: {  	_ =	shalt  }
0x4f: {  	_ =	shalt  }
0x50: {  	_ =	shalt  }
0x51: {  	_ =	shalt  }
0x52: {  	_ =	shalt  }
0x53: {  	_ =	shalt  }
0x54: {  	_ =	shalt  }
0x55: {  	_ =	shalt  }
0x56: {  	_ =	shalt  }
0x57: {  	_ =	shalt  }
0x58: {  	_ =	shalt  }
0x59: {  	_ =	shalt  }
0x5a: {  	_ =	shalt  }
0x5b: {  	_ =	shalt  }
0x5c: {  	_ =	shalt  }
0x5d: {  	_ =	shalt  }
0x5e: {  	_ =	shalt  }
0x5f: {  	_ =	shalt  }
0x60: {  	_ =	shalt  }
0x61: {  	_ =	shalt  }
0x62: {  	_ =	shalt  }
0x63: {  	_ =	shalt  }
0x64: {  	_ =	shalt  }
0x65: {  	_ =	shalt  }
0x66: {  	_ =	shalt  }
0x67: {  	_ =	shalt  }
0x68: {  	_ =	shalt  }
0x69: {  	_ =	shalt  }
0x6a: {  	_ =	shalt  }
0x6b: {  	_ =	shalt  }
0x6c: {  	_ =	shalt  }
0x6d: {  	_ =	shalt  }
0x6e: {  	_ =	shalt  }
0x6f: {  	_ =	shalt  }
0x70: {  	_ =	shalt  }
0x71: {  	_ =	shalt  }
0x72: {  	_ =	shalt  }
0x73: {  	_ =	shalt  }
0x74: {  	_ =	shalt  }
0x75: {  	_ =	shalt  }
0x76: {  	_ =	shalt  }
0x77: {  	_ =	shalt  }
0x78: {  	_ =	shalt  }
0x79: {  	_ =	shalt  }
0x7a: {  	_ =	shalt  }
0x7b: {  	_ =	shalt  }
0x7c: {  	_ =	shalt  }
0x7d: {  	_ =	shalt  }
0x7e: {  	_ =	shalt  }
0x7f: {  	_ =	shalt  }
0x80: {  	_ =	shalt  }
0x81: {  	_ =	shalt  }
0x82: {  	_ =	shalt  }
0x83: {  	_ =	shalt  }
0x84: {  	_ =	shalt  }
0x85: {  	_ =	shalt  }
0x86: {  	_ =	shalt  }
0x87: {  	_ =	shalt  }
.Lfunc_end0:
.L_simem_size_0:
called_computation_lowered:
.L_overlay_start_0:
0x88: {  	s2 =	sld [smem:$0x3FD9]  }
0x89: {  	s3 =	sld [smem:$0x3FFE];
	_ =	sdelay $0x1  }
0x8a: {  	s1 =	srdreg.scid  }
0x8b: {  	s0 =	sand.u32 $0x1, s1  }
0x8c: {  	s17 =	sshll.u32 s0, $0xA;
	s2 =	sadd.s32 s3, s2  }
0x8d: {  	s2 =	sadd.s32 s2, s17  }
0x8e: {  	[smem:$0x3FC7] =	sst s2  }
0x8f: {  	_ = 	snop  }
0x90: {  	s2 =	sld [smem:$0x3FD0];
	(tm) =	ssettm $0x1  }
0x91: {  	s18 =	sld [smem:$0x3FFB];
	_ =	sdelay $0x3  }
0x92: {  	_ =	strace s18  }
0x93: {  	s3 =	sld [smem:$0x3FFC];
	_ =	sdelay $0x3  }
0x94: {  	_ =	strace s3  }
0x95: {  	s3 =	sld [smem:$0x3FFD];
	_ =	sdelay $0x3  }
0x96: {  	_ =	strace s3  }
0x97: {  	_ =	strace $0x8FFFFFFF  }
0x98: {  	s19 =	sld [smem:$0x3FDB];
	_ =	sdelay $0x1  }
0x99: {  	s4 =	simm.s32 $_scs_section_size  }
0x9a: {  	s5 =	simm.s32 $_size__tile_overlayer_lowered;
	s6 =	simm.s32 $_tile_overlayer_lowered  }
0x9b: {  	s22 =	simm.s32 $0x1BFF;
	s21 =	sshll.u32 s6, $0x1;
	s3 =	sadd.s32 s4, s19  }
0x9c: {  	s7 =	simm.s32 $0x0;
	s20 =	sshll.u32 s5, $0x1;
	s5 =	sadd.s32 s21, s3  }
0x9d: {  	[timem:s7], [sflag:s22] =	dma.local [hbm:s5], s20  }
0x9e: {  	_ =	swait.ge [sflag:s22], s20  }
0x9f: {  	s4 =	ssub.s32 $0x0, s20;
	[sflag:s22] =	ssyncset.done $0x0  }
0xa0: {  	[sflag:s22] =	ssyncadd.s32 s4;
	_ =	sdelay $0x1  }
0xa1: {  	s23 =	simm.s32 $0x1B8B  }
0xa2: {  	_ =	swait.ge [sflag:s23], $0x1  }
0xa3: {  	[sflag:s23] =	ssyncset.done $0x0  }
0xa4: {  	s25 =	simm.s32 $0x1B8E;
	s24 =	sld [smem:$0x3FFE];
	[sflag:s23] =	ssyncadd.s32 $0xFFFFFFFF  }
0xa5: {  	s26 =	simm.s32 $execute0_lowered;
	[smem:$0x3FD2] =	sst s25  }
0xa6: {  	s5 =	sshll.u32 s26, $0x1;
	_ =	strace $0x80000046;
	[dreg:$0x1] =	wrdreg $0xFFFFFFFF  }
0xa7: {  	s28 =	simm.s32 $_size_execute0_lowered;
	s3 =	sadd.s32 s3, s5;
	[dreg:$0x0] =	wrdreg $0x0  }
0xa8: {  	s5 =	sshll.u32 s28, $0x1;
	[dreg:$0x2] =	wrdreg s3  }
0xa9: {  	[dreg:$0x3] =	wrdreg s5  }
0xaa: {  	[dreg:$0x4] =	wrdreg $0xC0  }
0xab: {  	_ =	task [dreg:s7], $0x5FFFF  }
0xac: {  	[dreg:$0x1] =	wrdreg $0xFFFFFFFF  }
0xad: {  	[dreg:$0x0] =	wrdreg $0x60  }
0xae: {  	[dreg:$0x2] =	wrdreg s2  }
0xaf: {  	[dreg:$0x3] =	wrdreg s24  }
0xb0: {  	[dreg:$0x4] =	wrdreg $0x9  }
0xb1: {  	_ =	task.clear_ibuf [dreg:s7], $0x5FFFF;
	_ =	strace $0x90000046  }
0xb2: {  	s29 =	simm.s32 $0x9;
	_ =	strace $0x80000048  }
0xb3: {  	_ =	swait.ge [sflag:s29], $0x1  }
0xb4: {  	[sflag:s29] =	ssyncadd.s32 $0xFFFFFFFF  }
0xb5: {  	_ =	strace $0x90000048  }
0xb6: {  	_ =	sfence  }
0xb7: {  	s30 =	sld [smem:$0x0];
	_ =	sdelay $0x2  }
0xb8: {  	s31 =	sshll.u32 s1, $0xD;
	s1 =	sshrl.u32 s1, $0x2  }
0xb9: {  	s3 =	sand.u32 $0x4000, s31;
	s1 =	sadd.s32 s1, s30  }
0xba: {  	s0 =	sor.u32 s3, s0;
	s1 =	sshll.u32 s1, $0x11  }
0xbb: {  	s0 =	sor.u32 s1, s0  }
0xbc: {  	s0 =	sadd.s32 $0x8F2B, s0  }
0xbd: {  	[sflag:s0] =	ssyncadd.remote.s32 $0x1  }
0xbe: {  	_ =	sfence.sel $0xFFFF  }
0xbf: {  	[dreg:$0x0] =	wrdreg $0xFFFFFFFF;
	(pc) =	sbr.abs _section_cstart, $3  }
0xc0: {  	[dreg:$0x1] =	wrdreg $0xFFFFFFFF  }
0xc1: {  	_ =	task.clear_ibuf [dreg:s7], $0x2FFFF;
	_ =	strace $0x9FFFFFFF  }
0xc2: {  	(tm) =	ssettm $0x7FFFFFFF  }
0xc3: {  	_ =	shalt  }
tec
execute0_lowered:
.L_overlay_start_1:
0x0: {  	(tag) =	ssettag $0x1  }
0x1: {  	s2 =	rddreg [dreg:$0x0]  }
0x2: {  	s4 =	rddreg [dreg:$0x1]  }
0x3: {  	s0 =	rddreg [dreg:$0x2];
	s3 =	simm.s32 $0x0;
	s1 =	stileid.u32  }
0x4: {  	s6 =	srdreg.scid;
	[smem:$0x7FF] =	sst s3;
	s5 =	sshll.u32 s1, $0x12  }
0x5: {  	s31 =	sand.u32 $0x1, s6;
	s8 =	sshll.u32 s1, $0xC;
	_ =	strace $0x80000047  }
0x6: {  	s4 =	sadd.s32 s5, s4;
	s6 =	ssub.s32 $0x2, s31;
	s7 =	sshll.u32 s31, $0xB  }
0x7: {  	s5 =	sshll.u32 s31, $0x11;
	s9 =	sshrl.u32 s6, $0x1;
	s7 =	sor.u32 s8, s7  }
0x8: {  	s5 =	sadd.s32 s5, s4;
	s8 =	simm.s32 $0x1;
	s6 =	ssub.s32 s6, s9  }
0x9: {  	s7 =	sxor.u32 $0xFFE0, s7;
	s5 =	sadd.s32 $0x600, s5;
	s9 =	simm.s32 $0x0  }
0xa: {  	s4 =	smax.u32 s6, $0x1;
	s6 =	sshrl.u32 s7, $0x2;
	s7 =	simm.s32 $0x2  }
.LBB2_1:
0xb: {  	[tilespmem:s3], [sflag:$0x2] =	stream.linear.gather [hbm4b:s2+s3], $0x8000, $0x38;
	[tilespmem:$0x8000] =	vst v63  }
0xc: {  	_ =	swait.ge [sflag:s7], $0x8000  }
0xd: {  	[sflag:s7] =	ssyncset.done $0x0  }
0xe: {  	s10 =	sadd.s32 $0x0, s6;
	[sflag:s7] =	ssyncadd.s32 $0xFFFF8000  }
0xf: {  	[hbm4b:s5+s3] =	stream.linear.scatter [tilespmem:s10], [sflag:$0x1], $0x4000, $0x38;
	[tilespmem:$0x8000] =	vst v63  }
0x10: {  	s11 =	smov.u32 s5;
	s10 =	simm.s32 $0xFFFFFFE0;
	_ =	swait.ge [sflag:s8], $0x4000  }
.LBB2_2:
0x11: {  	s12 =	sshra.s32 s10, $0x2  }
0x12: {  	[sflag:s8] =	ssyncset.done $0x0;
	s11 =	sadd.s32 $0x800, s11;
	p0 =	sne.s32 s10, $0xFFFFF820  }
.Ltmp0:
0x13: {  	s12 =	sadd.s32 s12, s6;
	[sflag:s8] =	ssyncadd.s32 $0xFFFFC000;
	(pc) =	sbr.rel @p0 .LBB2_2-.Ltmp0, $3  }
0x14: {  	[hbm4b:s11+s3] =	stream.linear.scatter [tilespmem:s12], [sflag:$0x1], $0x4000, $0x38;
	[tilespmem:$0x8000] =	vst v63  }
0x15: {  	s10 =	sadd.s32 $0xFFFFFFE0, s10;
	_ =	sdelay $0x1  }
0x16: {  	_ =	swait.ge [sflag:s8], $0x4000  }
0x17: {  	s9 =	sadd.s32 $0x1, s9  }
0x18: {  	p0 =	sne.s32 s9, s4  }
.Ltmp1:
0x19: {  	_ = 	snop;
	(pc) =	sbr.rel @p0 .LBB2_1-.Ltmp1, $3  }
0x1a: {  	_ =	sdelay $0x1  }
0x1b: {  	[sflag:s8] =	ssyncset.done $0x0  }
0x1c: {  	[sflag:s8] =	ssyncadd.s32 $0xFFFFC000  }
0x1d: {  	_ =	sfence.sel $0x180000  }
0x1e: {  	[bflag:$0x0] =	sbarrier.arrive $0xFFFF  }
0x1f: {  	p0 =	sne.s32 s1, $0x0;
	_ =	strace $0x90000047  }
0x20: {  	s0 =	sadd.s32 @!p0 $0x100000, s0;
	[bflag:$0x2] =	sbarrier.arrive $0xFFFF  }
0x21: {  	[sflag:s0] =	ssyncadd.tile.s32 @!p0 $0x1;
	_ =	shalt  }
.Lfunc_end2:
_tile_overlayer_lowered:
.L_overlay_start_2:
0x22: {  	(tag) =	ssettag $0x2  }
0x23: {  	s0 =	rddreg [dreg:$0x0];
	s2 =	stileid.u32  }
0x24: {  	s1 =	rddreg [dreg:$0x1];
	p0 =	sne.s32 s2, $0x0  }
0x25: {  	s3 =	rddreg [dreg:$0x2];
	[bflag:$0x3] =	sbarrier.arrive $0xFFFF;
	s2 =	simm.s32 @!p0 $0x1C02  }
0x26: {  	[timem:s3], [sflag:s2] =	dma.local @!p0 [hbm:s0], s1  }
0x27: {  	s0 =	simm.s32 @!p0 $0x2  }
0x28: {  	_ =	swait.ge @!p0 [sflag:s0], s1  }
0x29: {  	s1 =	ssub.s32 @!p0 $0x0, s1;
	[sflag:s0] =	ssyncset.done @!p0 $0x0  }
0x2a: {  	[sflag:s0] =	ssyncadd.s32 @!p0 s1  }
0x2b: {  	[bflag:$0x3] =	sbarrier.arrive $0xFFFF  }
0x2c: {  	_ =	shalt  }

</sc_bundles>
